<compile_context>
chip_gen: v7x
topology: tpu7x:2x2x1
jax: 0.10.2.dev20260603
libtpu: 0.0.44.dev20260713+nightly
codegen_flags: <defaults>
</compile_context>

<pallas_src>
import functools

import jax
import jax.numpy as jnp
from jax import lax
from jax.experimental import pallas as pl
from jax.experimental.pallas import tpu as pltpu
from jax.experimental.pallas import tpu_sc as plsc

B, S, D = 4, 4096, 1024
P, L = 1024, 16
TOP_K = 8
BLK = 128
NSTEPS = S // BLK
OUT_S = TOP_K * L + S
NC, NS = 2, 16
NW = NC * NS


def _k1_body(x_ref, key_ref, out_ref, sim_ref, idx_ref, acc_ref, knorm_ref):
    j = pl.program_id(0)

    xb = x_ref[...]
    out_ref[...] = xb

    part = jnp.sum(xb, axis=1)

    @pl.when(j == 0)
    def _init():
        acc_ref[...] = part
        k = key_ref[...]
        ksq = jnp.sum(k * k, axis=1, keepdims=True)
        knorm_ref[...] = k * lax.rsqrt(jnp.maximum(ksq, 1e-12))

    @pl.when(j > 0)
    def _accum():
        acc_ref[...] += part

    @pl.when(j == NSTEPS - 1)
    def _finish():
        mean = acc_ref[...] * (1.0 / S)
        msq = jnp.sum(mean * mean, axis=1, keepdims=True)
        xn = mean * lax.rsqrt(jnp.maximum(msq, 1e-12))
        sim = lax.dot_general(
            xn, knorm_ref[...],
            dimension_numbers=(((1,), (1,)), ((), ())),
            preferred_element_type=jnp.float32,
        )
        sim_ref[...] = sim

        iota = lax.broadcasted_iota(jnp.int32, (B, P), 1)
        work = sim
        cols = []
        for _ in range(TOP_K):
            m = jnp.max(work, axis=1, keepdims=True)
            cand = jnp.where(work == m, iota, P)
            sel = jnp.min(cand, axis=1, keepdims=True)
            cols.append(sel)
            work = jnp.where(iota == sel, -1e30, work)
        idx_ref[...] = jnp.concatenate(cols, axis=1)


def _k1(x_embed, prompt_key):
    return pl.pallas_call(
        _k1_body,
        grid=(NSTEPS,),
        in_specs=[
            pl.BlockSpec((B, BLK, D), lambda j: (0, j, 0)),
            pl.BlockSpec((P, D), lambda j: (0, 0)),
        ],
        out_specs=[
            pl.BlockSpec((B, BLK, D), lambda j: (0, j + 1, 0)),
            pl.BlockSpec((B, P), lambda j: (0, 0)),
            pl.BlockSpec((B, TOP_K), lambda j: (0, 0)),
        ],
        out_shape=[
            jax.ShapeDtypeStruct((B, OUT_S, D), jnp.float32),
            jax.ShapeDtypeStruct((B, P), jnp.float32),
            jax.ShapeDtypeStruct((B, TOP_K), jnp.int32),
        ],
        scratch_shapes=[
            pltpu.VMEM((B, D), jnp.float32),
            pltpu.VMEM((P, D), jnp.float32),
        ],
    )(x_embed, prompt_key)


def _k2_body(idx_hbm, table_hbm, out_hbm, ids_v, rows_v, sem):
    wid = lax.axis_index("s") * NC + lax.axis_index("c")

    pltpu.sync_copy(idx_hbm, ids_v)
    lane = lax.broadcasted_iota(jnp.int32, (16,), 0)
    my_idx = plsc.load_gather(ids_v, [jnp.full((16,), wid, jnp.int32)])
    row_ids = my_idx * L + lane

    pltpu.async_copy(table_hbm.at[row_ids], rows_v, sem).wait()
    pltpu.sync_copy(rows_v, out_hbm.at[pl.ds(wid * L, L)])


@functools.cache
def _k2():
    return pl.kernel(
        _k2_body,
        out_type=jax.ShapeDtypeStruct((B * TOP_K * L, D), jnp.float32),
        mesh=plsc.VectorSubcoreMesh(core_axis_name="c", subcore_axis_name="s"),
        compiler_params=pltpu.CompilerParams(needs_layout_passes=False),
        scratch_types=[
            pltpu.VMEM((NW,), jnp.int32),
            pltpu.VMEM((L, D), jnp.float32),
            pltpu.SemaphoreType.DMA,
        ],
    )


def _k3_body(g_ref, prompted_in, out_ref):
    del prompted_in
    out_ref[...] = g_ref[...]


def _k3(g, prompted):
    return pl.pallas_call(
        _k3_body,
        grid=(1,),
        in_specs=[
            pl.BlockSpec((B, TOP_K * L, D), lambda j: (0, 0, 0)),
            pl.BlockSpec(memory_space=pl.ANY),
        ],
        out_specs=pl.BlockSpec((B, TOP_K * L, D), lambda j: (0, 0, 0)),
        out_shape=jax.ShapeDtypeStruct((B, OUT_S, D), jnp.float32),
        input_output_aliases={1: 0},
    )(g, prompted)


def kernel(x_embed, prompt, prompt_key):
    prompted, similarity, idx = _k1(x_embed, prompt_key)
    gathered = _k2()(idx.reshape(B * TOP_K), prompt.reshape(P * L, D))
    prompted = _k3(gathered.reshape(B, TOP_K * L, D), prompted)
    return prompted, similarity, idx

# --- scband reference (transcript-rebuilt; emitter-appended) ---
"""Pipeline reference for scband-cptprompt-15075335209075 (READ-ONLY COPY).

The authoritative reference and input builder live on the scoring server;
editing this copy changes nothing except your own understanding.
"""

import jax, jax.numpy as jnp
import numpy as np


def l2_normalize(x, axis, epsilon=1e-12):
    square_sum = jnp.sum(x ** 2, axis=axis, keepdims=True)
    x_inv_norm = jax.lax.rsqrt(jnp.maximum(square_sum, epsilon))
    return x * x_inv_norm


def setup_inputs(seed: int = 0):
    key = jax.random.key(seed)
    k1, k2, k3 = jax.random.split(key, 3)
    B, S, D = 4, 4096, 1024
    P, L = 1024, 16
    x_embed = jax.random.normal(k1, (B, S, D), dtype=jnp.float32)
    # learned parameters (prompt_init='uniform' -> U(-1, 1))
    prompt = jax.random.uniform(k2, (P, L, D), minval=-1.0, maxval=1.0, dtype=jnp.float32)
    prompt_key = jax.random.uniform(k3, (P, D), minval=-1.0, maxval=1.0, dtype=jnp.float32)
    return {"x_embed": x_embed, "prompt": prompt, "prompt_key": prompt_key}


def reference(x_embed, prompt, prompt_key):
    # CPTPrompt.forward with prompt_pool=True, training_mode='prompt',
    # embedding_key='mean', prompt_mask=None, batchwise_prompt=False
    top_k = 8
    x_embed_mean = jnp.mean(x_embed, axis=1)                 # [B, D]
    prompt_norm = l2_normalize(prompt_key, axis=1)           # [P, D]
    x_embed_norm = l2_normalize(x_embed_mean, axis=1)        # [B, D]
    similarity = jnp.matmul(x_embed_norm, prompt_norm.T)     # [B, P]
    _, idx = jax.lax.top_k(similarity, top_k)                # [B, K]
    batched_prompt_raw = prompt[idx]                         # [B, K, L, D] gather
    B, K, L, C = batched_prompt_raw.shape
    batched_prompt = batched_prompt_raw.reshape(B, K * L, C)
    prompted_embedding = jnp.concatenate([batched_prompt, x_embed], axis=1)
    return prompted_embedding, similarity, idx

if __name__ == "__main__":
    import jax
    _d = setup_inputs()
    print(jax.jit(kernel)(*tuple(_d.values())))

</pallas_src>

<mosaic_0001>
#map = affine_map<(d0, d1) -> (0)>
#map1 = affine_map<(d0, d1) -> (0, 0)>
module attributes {stable_mosaic.version = 14 : i64} {
  func.func @_k2_body(%arg0: i32, %arg1: i32, %arg2: memref<32xi32, #tpu.memory_space<hbm>>, %arg3: memref<16384x1024xf32, #tpu.memory_space<hbm>>, %arg4: memref<512x1024xf32, #tpu.memory_space<hbm>>, %arg5: memref<32xi32, #tpu.memory_space<vmem>>, %arg6: memref<16x1024xf32, #tpu.memory_space<vmem>>, %arg7: memref<!tpu.dma_semaphore, #tpu.memory_space<semaphore_mem>>) attributes {dimension_semantics = [#tpu.dimension_semantics<core_parallel>, #tpu.dimension_semantics<subcore_parallel>], iteration_bounds = array<i64: 2, 16>, scalar_prefetch = 0 : i64, scratch_operands = 3 : i64, tpu.core_type = #tpu.core_type<sc_vector_subcore>, window_params = [{transform_indices = #map}, {transform_indices = #map1}, {transform_indices = #map1}]} {
    %mul3A = arith.constant 2 : i32
    %mul3A_0 = arith.muli %arg1, %mul3A : i32
    %add3A = arith.addi %mul3A_0, %arg0 : i32
    "tpu.region"() ({
      %run_scoped3A = tpu.sem_alloc : memref<!tpu.dma_semaphore, #tpu.memory_space<semaphore_mem>>
      tpu.enqueue_dma source(%arg2 : memref<32xi32, #tpu.memory_space<hbm>>) target(%arg5 : memref<32xi32, #tpu.memory_space<vmem>>) target_semaphore(%run_scoped3A : memref<!tpu.dma_semaphore, #tpu.memory_space<semaphore_mem>>)
      tpu.wait_dma2 semaphore(%run_scoped3A : memref<!tpu.dma_semaphore, #tpu.memory_space<semaphore_mem>>) src(%arg2 : memref<32xi32, #tpu.memory_space<hbm>>) dst(%arg5 : memref<32xi32, #tpu.memory_space<vmem>>)
      tpu.yield
    }) : () -> ()
    %iota3A = tpu.iota {dimensions = array<i32: 0>} : vector<16xi32>
    %broadcast_in_dim3A = vector.broadcast %add3A : i32 to vector<16xi32>
    %gather3A = tpu.vector_load_idx %arg5[%broadcast_in_dim3A] : memref<32xi32, #tpu.memory_space<vmem>>[vector<16xi32>], vector<16xi32>,
    %mul3A_1 = arith.constant 16 : i32
    %mul3A_2 = vector.broadcast %mul3A_1 : i32 to vector<16xi32>
    %mul3A_3 = arith.muli %gather3A, %mul3A_2 : vector<16xi32>
    %add3A_4 = arith.addi %mul3A_3, %iota3A : vector<16xi32>
    %dma_start3A = arith.constant 0 : i32
    %dma_start3A_5 = arith.constant 0 : i32
    %dma_start3A_6 = tpu.memref_slice %arg3[%dma_start3A, %dma_start3A_5] : memref<16384x1024xf32, #tpu.memory_space<hbm>> -> memref<16384x1024xf32, #tpu.memory_space<hbm>>
    tpu.enqueue_indirect_dma source(%dma_start3A_6 : memref<16384x1024xf32, #tpu.memory_space<hbm>>) target(%arg6 : memref<16x1024xf32, #tpu.memory_space<vmem>>) offsets(%add3A_4 : vector<16xi32>) semaphore(%arg7 : memref<!tpu.dma_semaphore, #tpu.memory_space<semaphore_mem>>)
    %dma_wait3A = arith.constant 0 : i32
    %dma_wait3A_7 = arith.constant 0 : i32
    %dma_wait3A_8 = tpu.memref_slice %arg3[%dma_wait3A, %dma_wait3A_7] : memref<16384x1024xf32, #tpu.memory_space<hbm>> -> memref<16384x1024xf32, #tpu.memory_space<hbm>>
    tpu.wait_indirect_dma semaphore(%arg7 : memref<!tpu.dma_semaphore, #tpu.memory_space<semaphore_mem>>) src(%dma_wait3A_8 : memref<16384x1024xf32, #tpu.memory_space<hbm>>) dst(%arg6 : memref<16x1024xf32, #tpu.memory_space<vmem>>)
    %mul3A_9 = arith.constant 16 : i32
    %mul3A_10 = arith.muli %add3A, %mul3A_9 : i32
    "tpu.region"() ({
      %run_scoped3A = tpu.sem_alloc : memref<!tpu.dma_semaphore, #tpu.memory_space<semaphore_mem>>
      %dma_start3A_11 = arith.constant 0 : i32
      %dma_start3A_12 = tpu.memref_slice %arg4[%mul3A_10, %dma_start3A_11] : memref<512x1024xf32, #tpu.memory_space<hbm>> -> memref<16x1024xf32, #tpu.memory_space<hbm>>
      %dma_start3A_13 = arith.constant 0 : i32
      %dma_start3A_14 = tpu.memref_slice %arg4[%mul3A_10, %dma_start3A_13] : memref<512x1024xf32, #tpu.memory_space<hbm>> -> memref<16x1024xf32, #tpu.memory_space<hbm>>
      tpu.enqueue_dma source(%arg6 : memref<16x1024xf32, #tpu.memory_space<vmem>>) target(%dma_start3A_14 : memref<16x1024xf32, #tpu.memory_space<hbm>>) target_semaphore(%run_scoped3A : memref<!tpu.dma_semaphore, #tpu.memory_space<semaphore_mem>>)
      %dma_wait3A_15 = arith.constant 0 : i32
      %dma_wait3A_16 = tpu.memref_slice %arg4[%mul3A_10, %dma_wait3A_15] : memref<512x1024xf32, #tpu.memory_space<hbm>> -> memref<16x1024xf32, #tpu.memory_space<hbm>>
      %dma_wait3A_17 = arith.constant 0 : i32
      %dma_wait3A_18 = tpu.memref_slice %arg4[%mul3A_10, %dma_wait3A_17] : memref<512x1024xf32, #tpu.memory_space<hbm>> -> memref<16x1024xf32, #tpu.memory_space<hbm>>
      tpu.wait_dma2 semaphore(%run_scoped3A : memref<!tpu.dma_semaphore, #tpu.memory_space<semaphore_mem>>) src(%arg6 : memref<16x1024xf32, #tpu.memory_space<vmem>>) dst(%dma_wait3A_18 : memref<16x1024xf32, #tpu.memory_space<hbm>>)
      tpu.yield
    }) : () -> ()
    return
  }
}

module attributes {stable_mosaic.version = 14 : i64} {
  func.func @_k1_body(%arg0: i32, %arg1: memref<4x128x1024xf32, #tpu.memory_space<vmem>>, %arg2: memref<1024x1024xf32, #tpu.memory_space<vmem>>, %arg3: memref<4x128x1024xf32, #tpu.memory_space<vmem>>, %arg4: memref<4x1024xf32, #tpu.memory_space<vmem>>, %arg5: memref<4x8xi32, #tpu.memory_space<vmem>>, %arg6: memref<4x1024xf32, #tpu.memory_space<vmem>>, %arg7: memref<1024x1024xf32, #tpu.memory_space<vmem>>) attributes {dimension_semantics = [#tpu.dimension_semantics<arbitrary>], iteration_bounds = array<i64: 32>, scalar_prefetch = 0 : i64, scratch_operands = 2 : i64, tpu.core_type = #tpu.core_type<tc>, window_params = [{transform_indices = @transform_0, window_bounds = array<i64: 4, 128, 1024>}, {pipeline_mode = #tpu.pipeline_mode<synchronous>, transform_indices = @transform_1, window_bounds = array<i64: 1024, 1024>}, {transform_indices = @transform_2, window_bounds = array<i64: 4, 128, 1024>}, {pipeline_mode = #tpu.pipeline_mode<synchronous>, transform_indices = @transform_3, window_bounds = array<i64: 4, 1024>}, {pipeline_mode = #tpu.pipeline_mode<synchronous>, transform_indices = @transform_4, window_bounds = array<i64: 4, 8>}]} {
    %get3A = arith.constant 0 : index
    %get3A_0 = arith.constant 0 : index
    %get3A_1 = arith.constant 0 : index
    %get3A_2 = vector.load %arg1[%get3A, %get3A_0, %get3A_1] : memref<4x128x1024xf32, #tpu.memory_space<vmem>>, vector<4x128x1024xf32>
    %swap3A = arith.constant 0 : index
    %swap3A_3 = arith.constant 0 : index
    %swap3A_4 = arith.constant 0 : index
    %swap3A_5 = vector.load %arg3[%swap3A, %swap3A_3, %swap3A_4] : memref<4x128x1024xf32, #tpu.memory_space<vmem>>, vector<4x128x1024xf32>
    tpu.vector_store %arg3[%swap3A, %swap3A_3, %swap3A_4], %get3A_2 {strides = array<i32>} : memref<4x128x1024xf32, #tpu.memory_space<vmem>>, vector<4x128x1024xf32>,
    %reduce_sum3A = arith.constant dense<0.000000e+00> : vector<4x1024xf32>
    %reduce_sum3A_6 = vector.multi_reduction <add>, %get3A_2, %reduce_sum3A [1] : vector<4x128x1024xf32> to vector<4x1024xf32>
    %eq3A = arith.constant 0 : i32
    %eq3A_7 = arith.cmpi eq, %arg0, %eq3A : i32
    %convert_element_type3A = arith.extui %eq3A_7 : i1 to i32
    %cond3A = arith.constant 0 : i32
    %cond3A_8 = arith.cmpi ne, %convert_element_type3A, %cond3A : i32
    scf.if %cond3A_8 {
      %swap3A_18 = arith.constant 0 : index
      %swap3A_19 = arith.constant 0 : index
      %swap3A_20 = vector.load %arg6[%swap3A_18, %swap3A_19] : memref<4x1024xf32, #tpu.memory_space<vmem>>, vector<4x1024xf32>
      tpu.vector_store %arg6[%swap3A_18, %swap3A_19], %reduce_sum3A_6 {strides = array<i32>} : memref<4x1024xf32, #tpu.memory_space<vmem>>, vector<4x1024xf32>,
      %get3A_21 = arith.constant 0 : index
      %get3A_22 = arith.constant 0 : index
      %get3A_23 = vector.load %arg2[%get3A_21, %get3A_22] : memref<1024x1024xf32, #tpu.memory_space<vmem>>, vector<1024x1024xf32>
      %mul3A = arith.mulf %get3A_23, %get3A_23 : vector<1024x1024xf32>
      %reduce_sum3A_24 = arith.constant dense<0.000000e+00> : vector<1024xf32>
      %reduce_sum3A_25 = vector.multi_reduction <add>, %mul3A, %reduce_sum3A_24 [1] : vector<1024x1024xf32> to vector<1024xf32>
      %broadcast_in_dim3A = vector.shape_cast %reduce_sum3A_25 : vector<1024xf32> to vector<1024x1xf32>
      %max3A = arith.constant 9.99999996E-13 : f32
      %max3A_26 = vector.broadcast %max3A : f32 to vector<1024x1xf32>
      %max3A_27 = arith.maximumf %broadcast_in_dim3A, %max3A_26 : vector<1024x1xf32>
      %rsqrt3A = math.rsqrt %max3A_27 : vector<1024x1xf32>
      %mul3A_28 = vector.broadcast %rsqrt3A : vector<1024x1xf32> to vector<1024x1024xf32>
      %mul3A_29 = arith.mulf %get3A_23, %mul3A_28 : vector<1024x1024xf32>
      %swap3A_30 = arith.constant 0 : index
      %swap3A_31 = arith.constant 0 : index
      %swap3A_32 = vector.load %arg7[%swap3A_30, %swap3A_31] : memref<1024x1024xf32, #tpu.memory_space<vmem>>, vector<1024x1024xf32>
      tpu.vector_store %arg7[%swap3A_30, %swap3A_31], %mul3A_29 {strides = array<i32>} : memref<1024x1024xf32, #tpu.memory_space<vmem>>, vector<1024x1024xf32>,
    } else {
    }
    %gt3A = arith.constant 0 : i32
    %gt3A_9 = arith.cmpi sgt, %arg0, %gt3A : i32
    %convert_element_type3A_10 = arith.extui %gt3A_9 : i1 to i32
    %cond3A_11 = arith.constant 0 : i32
    %cond3A_12 = arith.cmpi ne, %convert_element_type3A_10, %cond3A_11 : i32
    scf.if %cond3A_12 {
      %get3A_18 = arith.constant 0 : index
      %get3A_19 = arith.constant 0 : index
      %get3A_20 = vector.load %arg6[%get3A_18, %get3A_19] : memref<4x1024xf32, #tpu.memory_space<vmem>>, vector<4x1024xf32>
      %add3A = arith.addf %get3A_20, %reduce_sum3A_6 : vector<4x1024xf32>
      %swap3A_21 = arith.constant 0 : index
      %swap3A_22 = arith.constant 0 : index
      %swap3A_23 = vector.load %arg6[%swap3A_21, %swap3A_22] : memref<4x1024xf32, #tpu.memory_space<vmem>>, vector<4x1024xf32>
      tpu.vector_store %arg6[%swap3A_21, %swap3A_22], %add3A {strides = array<i32>} : memref<4x1024xf32, #tpu.memory_space<vmem>>, vector<4x1024xf32>,
    } else {
    }
    %eq3A_13 = arith.constant 31 : i32
    %eq3A_14 = arith.cmpi eq, %arg0, %eq3A_13 : i32
    %convert_element_type3A_15 = arith.extui %eq3A_14 : i1 to i32
    %cond3A_16 = arith.constant 0 : i32
    %cond3A_17 = arith.cmpi ne, %convert_element_type3A_15, %cond3A_16 : i32
    scf.if %cond3A_17 {
      %get3A_18 = arith.constant 0 : index
      %get3A_19 = arith.constant 0 : index
      %get3A_20 = vector.load %arg6[%get3A_18, %get3A_19] : memref<4x1024xf32, #tpu.memory_space<vmem>>, vector<4x1024xf32>
      %mul3A = arith.constant 2.44140625E-4 : f32
      %mul3A_21 = vector.broadcast %mul3A : f32 to vector<4x1024xf32>
      %mul3A_22 = arith.mulf %get3A_20, %mul3A_21 : vector<4x1024xf32>
      %mul3A_23 = arith.mulf %mul3A_22, %mul3A_22 : vector<4x1024xf32>
      %reduce_sum3A_24 = arith.constant dense<0.000000e+00> : vector<4xf32>
      %reduce_sum3A_25 = vector.multi_reduction <add>, %mul3A_23, %reduce_sum3A_24 [1] : vector<4x1024xf32> to vector<4xf32>
      %broadcast_in_dim3A = vector.shape_cast %reduce_sum3A_25 : vector<4xf32> to vector<4x1xf32>
      %max3A = arith.constant 9.99999996E-13 : f32
      %max3A_26 = vector.broadcast %max3A : f32 to vector<4x1xf32>
      %max3A_27 = arith.maximumf %broadcast_in_dim3A, %max3A_26 : vector<4x1xf32>
      %rsqrt3A = math.rsqrt %max3A_27 : vector<4x1xf32>
      %mul3A_28 = vector.broadcast %rsqrt3A : vector<4x1xf32> to vector<4x1024xf32>
      %mul3A_29 = arith.mulf %mul3A_22, %mul3A_28 : vector<4x1024xf32>
      %get3A_30 = arith.constant 0 : index
      %get3A_31 = arith.constant 0 : index
      %get3A_32 = vector.load %arg7[%get3A_30, %get3A_31] : memref<1024x1024xf32, #tpu.memory_space<vmem>>, vector<1024x1024xf32>
      %dot_general3A = arith.constant dense<0.000000e+00> : vector<4x1024xf32>
      %dot_general3A_33 = tpu.matmul %mul3A_29, %get3A_32, %dot_general3A {dimension_numbers = #tpu.dot_dimension_numbers<[1], [1], [0], [0], [0, 0, 1, 0], [], []>, transpose_lhs_hint = false} : vector<4x1024xf32>, vector<1024x1024xf32>, vector<4x1024xf32> -> vector<4x1024xf32>
      %swap3A_34 = arith.constant 0 : index
      %swap3A_35 = arith.constant 0 : index
      %swap3A_36 = vector.load %arg4[%swap3A_34, %swap3A_35] : memref<4x1024xf32, #tpu.memory_space<vmem>>, vector<4x1024xf32>
      tpu.vector_store %arg4[%swap3A_34, %swap3A_35], %dot_general3A_33 {strides = array<i32>} : memref<4x1024xf32, #tpu.memory_space<vmem>>, vector<4x1024xf32>,
      %iota3A = tpu.iota {dimensions = array<i32: 1>} : vector<4x1024xi32>
      %reduce_max3A = arith.constant dense<0xFF800000> : vector<4xf32>
      %reduce_max3A_37 = vector.multi_reduction <maximumf>, %dot_general3A_33, %reduce_max3A [1] : vector<4x1024xf32> to vector<4xf32>
      %broadcast_in_dim3A_38 = vector.shape_cast %reduce_max3A_37 : vector<4xf32> to vector<4x1xf32>
      %eq3A_39 = vector.broadcast %broadcast_in_dim3A_38 : vector<4x1xf32> to vector<4x1024xf32>
      %eq3A_40 = arith.cmpf oeq, %dot_general3A_33, %eq3A_39 : vector<4x1024xf32>
      %jit3A = arith.constant 1024 : i32
      %broadcast_in_dim3A_41 = vector.broadcast %jit3A : i32 to vector<4x1024xi32>
      %select_n3A = arith.select %eq3A_40, %iota3A, %broadcast_in_dim3A_41 : vector<4x1024xi1>, vector<4x1024xi32>
      %reduce_min3A = arith.constant dense<2147483647> : vector<4xi32>
      %reduce_min3A_42 = vector.multi_reduction <minsi>, %select_n3A, %reduce_min3A [1] : vector<4x1024xi32> to vector<4xi32>
      %broadcast_in_dim3A_43 = vector.shape_cast %reduce_min3A_42 : vector<4xi32> to vector<4x1xi32>
      %eq3A_44 = vector.broadcast %broadcast_in_dim3A_43 : vector<4x1xi32> to vector<4x1024xi32>
      %eq3A_45 = arith.cmpi eq, %iota3A, %eq3A_44 : vector<4x1024xi32>
      %jit3A_46 = arith.constant -1.000000e+30 : f32
      %broadcast_in_dim3A_47 = vector.broadcast %jit3A_46 : f32 to vector<4x1024xf32>
      %select_n3A_48 = arith.select %eq3A_45, %broadcast_in_dim3A_47, %dot_general3A_33 : vector<4x1024xi1>, vector<4x1024xf32>
      %reduce_max3A_49 = arith.constant dense<0xFF800000> : vector<4xf32>
      %reduce_max3A_50 = vector.multi_reduction <maximumf>, %select_n3A_48, %reduce_max3A_49 [1] : vector<4x1024xf32> to vector<4xf32>
      %broadcast_in_dim3A_51 = vector.shape_cast %reduce_max3A_50 : vector<4xf32> to vector<4x1xf32>
      %eq3A_52 = vector.broadcast %broadcast_in_dim3A_51 : vector<4x1xf32> to vector<4x1024xf32>
      %eq3A_53 = arith.cmpf oeq, %select_n3A_48, %eq3A_52 : vector<4x1024xf32>
      %jit3A_54 = arith.constant 1024 : i32
      %broadcast_in_dim3A_55 = vector.broadcast %jit3A_54 : i32 to vector<4x1024xi32>
      %select_n3A_56 = arith.select %eq3A_53, %iota3A, %broadcast_in_dim3A_55 : vector<4x1024xi1>, vector<4x1024xi32>
      %reduce_min3A_57 = arith.constant dense<2147483647> : vector<4xi32>
      %reduce_min3A_58 = vector.multi_reduction <minsi>, %select_n3A_56, %reduce_min3A_57 [1] : vector<4x1024xi32> to vector<4xi32>
      %broadcast_in_dim3A_59 = vector.shape_cast %reduce_min3A_58 : vector<4xi32> to vector<4x1xi32>
      %eq3A_60 = vector.broadcast %broadcast_in_dim3A_59 : vector<4x1xi32> to vector<4x1024xi32>
      %eq3A_61 = arith.cmpi eq, %iota3A, %eq3A_60 : vector<4x1024xi32>
      %jit3A_62 = arith.constant -1.000000e+30 : f32
      %broadcast_in_dim3A_63 = vector.broadcast %jit3A_62 : f32 to vector<4x1024xf32>
      %select_n3A_64 = arith.select %eq3A_61, %broadcast_in_dim3A_63, %select_n3A_48 : vector<4x1024xi1>, vector<4x1024xf32>
      %reduce_max3A_65 = arith.constant dense<0xFF800000> : vector<4xf32>
      %reduce_max3A_66 = vector.multi_reduction <maximumf>, %select_n3A_64, %reduce_max3A_65 [1] : vector<4x1024xf32> to vector<4xf32>
      %broadcast_in_dim3A_67 = vector.shape_cast %reduce_max3A_66 : vector<4xf32> to vector<4x1xf32>
      %eq3A_68 = vector.broadcast %broadcast_in_dim3A_67 : vector<4x1xf32> to vector<4x1024xf32>
      %eq3A_69 = arith.cmpf oeq, %select_n3A_64, %eq3A_68 : vector<4x1024xf32>
      %jit3A_70 = arith.constant 1024 : i32
      %broadcast_in_dim3A_71 = vector.broadcast %jit3A_70 : i32 to vector<4x1024xi32>
      %select_n3A_72 = arith.select %eq3A_69, %iota3A, %broadcast_in_dim3A_71 : vector<4x1024xi1>, vector<4x1024xi32>
      %reduce_min3A_73 = arith.constant dense<2147483647> : vector<4xi32>
      %reduce_min3A_74 = vector.multi_reduction <minsi>, %select_n3A_72, %reduce_min3A_73 [1] : vector<4x1024xi32> to vector<4xi32>
      %broadcast_in_dim3A_75 = vector.shape_cast %reduce_min3A_74 : vector<4xi32> to vector<4x1xi32>
      %eq3A_76 = vector.broadcast %broadcast_in_dim3A_75 : vector<4x1xi32> to vector<4x1024xi32>
      %eq3A_77 = arith.cmpi eq, %iota3A, %eq3A_76 : vector<4x1024xi32>
      %jit3A_78 = arith.constant -1.000000e+30 : f32
      %broadcast_in_dim3A_79 = vector.broadcast %jit3A_78 : f32 to vector<4x1024xf32>
      %select_n3A_80 = arith.select %eq3A_77, %broadcast_in_dim3A_79, %select_n3A_64 : vector<4x1024xi1>, vector<4x1024xf32>
      %reduce_max3A_81 = arith.constant dense<0xFF800000> : vector<4xf32>
      %reduce_max3A_82 = vector.multi_reduction <maximumf>, %select_n3A_80, %reduce_max3A_81 [1] : vector<4x1024xf32> to vector<4xf32>
      %broadcast_in_dim3A_83 = vector.shape_cast %reduce_max3A_82 : vector<4xf32> to vector<4x1xf32>
      %eq3A_84 = vector.broadcast %broadcast_in_dim3A_83 : vector<4x1xf32> to vector<4x1024xf32>
      %eq3A_85 = arith.cmpf oeq, %select_n3A_80, %eq3A_84 : vector<4x1024xf32>
      %jit3A_86 = arith.constant 1024 : i32
      %broadcast_in_dim3A_87 = vector.broadcast %jit3A_86 : i32 to vector<4x1024xi32>
      %select_n3A_88 = arith.select %eq3A_85, %iota3A, %broadcast_in_dim3A_87 : vector<4x1024xi1>, vector<4x1024xi32>
      %reduce_min3A_89 = arith.constant dense<2147483647> : vector<4xi32>
      %reduce_min3A_90 = vector.multi_reduction <minsi>, %select_n3A_88, %reduce_min3A_89 [1] : vector<4x1024xi32> to vector<4xi32>
      %broadcast_in_dim3A_91 = vector.shape_cast %reduce_min3A_90 : vector<4xi32> to vector<4x1xi32>
      %eq3A_92 = vector.broadcast %broadcast_in_dim3A_91 : vector<4x1xi32> to vector<4x1024xi32>
      %eq3A_93 = arith.cmpi eq, %iota3A, %eq3A_92 : vector<4x1024xi32>
      %jit3A_94 = arith.constant -1.000000e+30 : f32
      %broadcast_in_dim3A_95 = vector.broadcast %jit3A_94 : f32 to vector<4x1024xf32>
      %select_n3A_96 = arith.select %eq3A_93, %broadcast_in_dim3A_95, %select_n3A_80 : vector<4x1024xi1>, vector<4x1024xf32>
      %reduce_max3A_97 = arith.constant dense<0xFF800000> : vector<4xf32>
      %reduce_max3A_98 = vector.multi_reduction <maximumf>, %select_n3A_96, %reduce_max3A_97 [1] : vector<4x1024xf32> to vector<4xf32>
      %broadcast_in_dim3A_99 = vector.shape_cast %reduce_max3A_98 : vector<4xf32> to vector<4x1xf32>
      %eq3A_100 = vector.broadcast %broadcast_in_dim3A_99 : vector<4x1xf32> to vector<4x1024xf32>
      %eq3A_101 = arith.cmpf oeq, %select_n3A_96, %eq3A_100 : vector<4x1024xf32>
      %jit3A_102 = arith.constant 1024 : i32
      %broadcast_in_dim3A_103 = vector.broadcast %jit3A_102 : i32 to vector<4x1024xi32>
      %select_n3A_104 = arith.select %eq3A_101, %iota3A, %broadcast_in_dim3A_103 : vector<4x1024xi1>, vector<4x1024xi32>
      %reduce_min3A_105 = arith.constant dense<2147483647> : vector<4xi32>
      %reduce_min3A_106 = vector.multi_reduction <minsi>, %select_n3A_104, %reduce_min3A_105 [1] : vector<4x1024xi32> to vector<4xi32>
      %broadcast_in_dim3A_107 = vector.shape_cast %reduce_min3A_106 : vector<4xi32> to vector<4x1xi32>
      %eq3A_108 = vector.broadcast %broadcast_in_dim3A_107 : vector<4x1xi32> to vector<4x1024xi32>
      %eq3A_109 = arith.cmpi eq, %iota3A, %eq3A_108 : vector<4x1024xi32>
      %jit3A_110 = arith.constant -1.000000e+30 : f32
      %broadcast_in_dim3A_111 = vector.broadcast %jit3A_110 : f32 to vector<4x1024xf32>
      %select_n3A_112 = arith.select %eq3A_109, %broadcast_in_dim3A_111, %select_n3A_96 : vector<4x1024xi1>, vector<4x1024xf32>
      %reduce_max3A_113 = arith.constant dense<0xFF800000> : vector<4xf32>
      %reduce_max3A_114 = vector.multi_reduction <maximumf>, %select_n3A_112, %reduce_max3A_113 [1] : vector<4x1024xf32> to vector<4xf32>
      %broadcast_in_dim3A_115 = vector.shape_cast %reduce_max3A_114 : vector<4xf32> to vector<4x1xf32>
      %eq3A_116 = vector.broadcast %broadcast_in_dim3A_115 : vector<4x1xf32> to vector<4x1024xf32>
      %eq3A_117 = arith.cmpf oeq, %select_n3A_112, %eq3A_116 : vector<4x1024xf32>
      %jit3A_118 = arith.constant 1024 : i32
      %broadcast_in_dim3A_119 = vector.broadcast %jit3A_118 : i32 to vector<4x1024xi32>
      %select_n3A_120 = arith.select %eq3A_117, %iota3A, %broadcast_in_dim3A_119 : vector<4x1024xi1>, vector<4x1024xi32>
      %reduce_min3A_121 = arith.constant dense<2147483647> : vector<4xi32>
      %reduce_min3A_122 = vector.multi_reduction <minsi>, %select_n3A_120, %reduce_min3A_121 [1] : vector<4x1024xi32> to vector<4xi32>
      %broadcast_in_dim3A_123 = vector.shape_cast %reduce_min3A_122 : vector<4xi32> to vector<4x1xi32>
      %eq3A_124 = vector.broadcast %broadcast_in_dim3A_123 : vector<4x1xi32> to vector<4x1024xi32>
      %eq3A_125 = arith.cmpi eq, %iota3A, %eq3A_124 : vector<4x1024xi32>
      %jit3A_126 = arith.constant -1.000000e+30 : f32
      %broadcast_in_dim3A_127 = vector.broadcast %jit3A_126 : f32 to vector<4x1024xf32>
      %select_n3A_128 = arith.select %eq3A_125, %broadcast_in_dim3A_127, %select_n3A_112 : vector<4x1024xi1>, vector<4x1024xf32>
      %reduce_max3A_129 = arith.constant dense<0xFF800000> : vector<4xf32>
      %reduce_max3A_130 = vector.multi_reduction <maximumf>, %select_n3A_128, %reduce_max3A_129 [1] : vector<4x1024xf32> to vector<4xf32>
      %broadcast_in_dim3A_131 = vector.shape_cast %reduce_max3A_130 : vector<4xf32> to vector<4x1xf32>
      %eq3A_132 = vector.broadcast %broadcast_in_dim3A_131 : vector<4x1xf32> to vector<4x1024xf32>
      %eq3A_133 = arith.cmpf oeq, %select_n3A_128, %eq3A_132 : vector<4x1024xf32>
      %jit3A_134 = arith.constant 1024 : i32
      %broadcast_in_dim3A_135 = vector.broadcast %jit3A_134 : i32 to vector<4x1024xi32>
      %select_n3A_136 = arith.select %eq3A_133, %iota3A, %broadcast_in_dim3A_135 : vector<4x1024xi1>, vector<4x1024xi32>
      %reduce_min3A_137 = arith.constant dense<2147483647> : vector<4xi32>
      %reduce_min3A_138 = vector.multi_reduction <minsi>, %select_n3A_136, %reduce_min3A_137 [1] : vector<4x1024xi32> to vector<4xi32>
      %broadcast_in_dim3A_139 = vector.shape_cast %reduce_min3A_138 : vector<4xi32> to vector<4x1xi32>
      %eq3A_140 = vector.broadcast %broadcast_in_dim3A_139 : vector<4x1xi32> to vector<4x1024xi32>
      %eq3A_141 = arith.cmpi eq, %iota3A, %eq3A_140 : vector<4x1024xi32>
      %jit3A_142 = arith.constant -1.000000e+30 : f32
      %broadcast_in_dim3A_143 = vector.broadcast %jit3A_142 : f32 to vector<4x1024xf32>
      %select_n3A_144 = arith.select %eq3A_141, %broadcast_in_dim3A_143, %select_n3A_128 : vector<4x1024xi1>, vector<4x1024xf32>
      %reduce_max3A_145 = arith.constant dense<0xFF800000> : vector<4xf32>
      %reduce_max3A_146 = vector.multi_reduction <maximumf>, %select_n3A_144, %reduce_max3A_145 [1] : vector<4x1024xf32> to vector<4xf32>
      %broadcast_in_dim3A_147 = vector.shape_cast %reduce_max3A_146 : vector<4xf32> to vector<4x1xf32>
      %eq3A_148 = vector.broadcast %broadcast_in_dim3A_147 : vector<4x1xf32> to vector<4x1024xf32>
      %eq3A_149 = arith.cmpf oeq, %select_n3A_144, %eq3A_148 : vector<4x1024xf32>
      %jit3A_150 = arith.constant 1024 : i32
      %broadcast_in_dim3A_151 = vector.broadcast %jit3A_150 : i32 to vector<4x1024xi32>
      %select_n3A_152 = arith.select %eq3A_149, %iota3A, %broadcast_in_dim3A_151 : vector<4x1024xi1>, vector<4x1024xi32>
      %reduce_min3A_153 = arith.constant dense<2147483647> : vector<4xi32>
      %reduce_min3A_154 = vector.multi_reduction <minsi>, %select_n3A_152, %reduce_min3A_153 [1] : vector<4x1024xi32> to vector<4xi32>
      %broadcast_in_dim3A_155 = vector.shape_cast %reduce_min3A_154 : vector<4xi32> to vector<4x1xi32>
      %concatenate3A = tpu.concatenate %broadcast_in_dim3A_43, %broadcast_in_dim3A_59, %broadcast_in_dim3A_75, %broadcast_in_dim3A_91, %broadcast_in_dim3A_107, %broadcast_in_dim3A_123, %broadcast_in_dim3A_139, %broadcast_in_dim3A_155 in 1 : vector<4x1xi32>, vector<4x1xi32>, vector<4x1xi32>, vector<4x1xi32>, vector<4x1xi32>, vector<4x1xi32>, vector<4x1xi32>, vector<4x1xi32> -> vector<4x8xi32>
      %swap3A_156 = arith.constant 0 : index
      %swap3A_157 = arith.constant 0 : index
      %swap3A_158 = vector.load %arg5[%swap3A_156, %swap3A_157] : memref<4x8xi32, #tpu.memory_space<vmem>>, vector<4x8xi32>
      tpu.vector_store %arg5[%swap3A_156, %swap3A_157], %concatenate3A {strides = array<i32>} : memref<4x8xi32, #tpu.memory_space<vmem>>, vector<4x8xi32>,
    } else {
    }
    return
  }
  func.func @transform_0(%arg0: i32) -> (i32, i32, i32) {
    %c0_i32 = arith.constant 0 : i32
    %c0_i32_0 = arith.constant 0 : i32
    %c0_i32_1 = arith.constant 0 : i32
    return %c0_i32, %arg0, %c0_i32_0 : i32, i32, i32
  }
  func.func @transform_1(%arg0: i32) -> (i32, i32) {
    %c0_i32 = arith.constant 0 : i32
    %c0_i32_0 = arith.constant 0 : i32
    %c0_i32_1 = arith.constant 0 : i32
    return %c0_i32, %c0_i32_0 : i32, i32
  }
  func.func @transform_2(%arg0: i32) -> (i32, i32, i32) {
    %add3A = arith.constant 1 : i32
    %add3A_0 = arith.addi %arg0, %add3A : i32
    %c0_i32 = arith.constant 0 : i32
    %c0_i32_1 = arith.constant 0 : i32
    %c0_i32_2 = arith.constant 0 : i32
    return %c0_i32, %add3A_0, %c0_i32_1 : i32, i32, i32
  }
  func.func @transform_3(%arg0: i32) -> (i32, i32) {
    %c0_i32 = arith.constant 0 : i32
    %c0_i32_0 = arith.constant 0 : i32
    %c0_i32_1 = arith.constant 0 : i32
    return %c0_i32, %c0_i32_0 : i32, i32
  }
  func.func @transform_4(%arg0: i32) -> (i32, i32) {
    %c0_i32 = arith.constant 0 : i32
    %c0_i32_0 = arith.constant 0 : i32
    %c0_i32_1 = arith.constant 0 : i32
    return %c0_i32, %c0_i32_0 : i32, i32
  }
}

module attributes {stable_mosaic.version = 14 : i64} {
  func.func @_k3_body(%arg0: i32, %arg1: memref<4x128x1024xf32, #tpu.memory_space<vmem>>, %arg2: memref<4x4224x1024xf32, #tpu.memory_space<any>>, %arg3: memref<4x128x1024xf32, #tpu.memory_space<vmem>>) attributes {dimension_semantics = [#tpu.dimension_semantics<arbitrary>], iteration_bounds = array<i64: 1>, scalar_prefetch = 0 : i64, scratch_operands = 0 : i64, tpu.core_type = #tpu.core_type<tc>, window_params = [{pipeline_mode = #tpu.pipeline_mode<synchronous>, transform_indices = @transform_0, window_bounds = array<i64: 4, 128, 1024>}, {}, {transform_indices = @transform_2, window_bounds = array<i64: 4, 128, 1024>}]} {
    %get3A = arith.constant 0 : index
    %get3A_0 = arith.constant 0 : index
    %get3A_1 = arith.constant 0 : index
    %get3A_2 = vector.load %arg1[%get3A, %get3A_0, %get3A_1] : memref<4x128x1024xf32, #tpu.memory_space<vmem>>, vector<4x128x1024xf32>
    %swap3A = arith.constant 0 : index
    %swap3A_3 = arith.constant 0 : index
    %swap3A_4 = arith.constant 0 : index
    %swap3A_5 = vector.load %arg3[%swap3A, %swap3A_3, %swap3A_4] : memref<4x128x1024xf32, #tpu.memory_space<vmem>>, vector<4x128x1024xf32>
    tpu.vector_store %arg3[%swap3A, %swap3A_3, %swap3A_4], %get3A_2 {strides = array<i32>} : memref<4x128x1024xf32, #tpu.memory_space<vmem>>, vector<4x128x1024xf32>,
    return
  }
  func.func @transform_0(%arg0: i32) -> (i32, i32, i32) {
    %c0_i32 = arith.constant 0 : i32
    %c0_i32_0 = arith.constant 0 : i32
    %c0_i32_1 = arith.constant 0 : i32
    %c0_i32_2 = arith.constant 0 : i32
    return %c0_i32, %c0_i32_0, %c0_i32_1 : i32, i32, i32
  }
  func.func @transform_2(%arg0: i32) -> (i32, i32, i32) {
    %c0_i32 = arith.constant 0 : i32
    %c0_i32_0 = arith.constant 0 : i32
    %c0_i32_1 = arith.constant 0 : i32
    %c0_i32_2 = arith.constant 0 : i32
    return %c0_i32, %c0_i32_0, %c0_i32_1 : i32, i32, i32
  }
}

</mosaic_0001>

<sc_bundles>
// kernel: kernel.5.cloned.1.call-start
scs
__scs_entry_jumppad:
0x0: {  	(pc) =	sbr.rel $0x88, $3  }
0x1: {  	(tag) =	ssettag $0x0;
	lr =	simm.s32 $0x1  }
0x2: {  	[smem:$0x3F9E] =	sst lr;
	_ =	strace $0xD0000000  }
0x3: {  	_ = 	snop  }
0x4: {  	_ = 	snop  }
0x5: {  	_ = 	snop  }
0x6: {  	_ = 	snop  }
0x7: {  	_ = 	snop  }
__scs_overlays_trampoline_lowered:
0x8: {  	[smem:$0x3FAD] =	sst s0  }
0x9: {  	[smem:$0x3FAE] =	sst s1  }
0xa: {  	[smem:$0x3FAF] =	sst s2  }
0xb: {  	[smem:$0x3FB0] =	sst s3  }
0xc: {  	[smem:$0x3FB1] =	sst s4  }
0xd: {  	[smem:$0x3FB2] =	sst s5  }
0xe: {  	[smem:$0x3FB3] =	sst s6  }
0xf: {  	[smem:$0x3FB4] =	sst s7  }
0x10: {  	[smem:$0x3FB5] =	sst s8  }
0x11: {  	[smem:$0x3FB6] =	sst s9;
	s0 =	simm.s32 @!p0 $0x0  }
0x12: {  	s1 =	sld [smem:$0x3F9C];
	s0 =	simm.s32 @p0 $0x1  }
0x13: {  	[smem:$0x3FB7] =	sst s0;
	s0 =	simm.s32 @!p1 $0x0  }
0x14: {  	s2 =	sld [smem:$0x3F9B];
	s0 =	simm.s32 @p1 $0x1  }
0x15: {  	[smem:$0x3FB8] =	sst s0;
	s0 =	simm.s32 @!p2 $0x0  }
0x16: {  	s3 =	sld [smem:$0x3FDB];
	s0 =	simm.s32 @p2 $0x1  }
0x17: {  	s4 =	simm.s32 $0x1BF5;
	[smem:$0x3FBA] =	sst s0  }
0x18: {  	s0 =	sld [smem:$0x3F9D];
	_ =	swait.ge [sflag:s4], $0x0  }
0x19: {  	s7 =	sld [smem:$0x3F9E]  }
0x1a: {  	s8 =	sadd.s32 $0xFFFFE003, lr  }
0x1b: {  	s9 =	sadd.s32 $0xFFFFFEF7, lr;
	s5 =	simm.s32 $0xFFFFFFFF;
	p2 =	slt.u32 s8, $0xFFFFF086  }
0x1c: {  	p1 =	slt.u32 s9, $0xF7A;
	s5 =	simm.s32 @!p2 $0x0  }
0x1d: {  	s5 =	simm.s32 @p1 $0x1;
	p0 =	seq.s32 s7, s2  }
0x1e: {  	s7 =	smul.u32 @!p0 $0xF7A, s2;
	p2 =	seq.s32 @!p0 s5, $0x0  }
0x1f: {  	s9 =	smul.u32 $0xF7A, s1;
	s8 =	simm.s32 @!p0 $0x1BF5;
	p2 =	por !p2, p0  }
0x20: {  	[sflag:s8] =	ssyncset.s32 @!p0 $0xFFFFF086;
	s6 =	sadd.s32 @!p0 s3, s7;
	s7 =	simm.s32 @!p0 $0x108  }
0x21: {  	s3 =	sadd.s32 s3, s9;
	s6 =	sadd.s32 @!p0 $0x88, s6;
	s7 =	simm.s32 @p2 $0x1082  }
0x22: {  	[simem:s7], [sflag:s8] =	dma.local @!p0 [hbm:s6], $0xF7A  }
0x23: {  	s9 =	sor.u32 $0xD0000000, s2;
	s6 =	simm.s32 $0x108;
	_ =	swait.ge @!p0 [sflag:s8], $0x0  }
0x24: {  	s3 =	sadd.s32 $0x88, s3;
	s6 =	simm.s32 @!p1 $0x1082;
	[sflag:s4] =	ssyncset.s32 $0xFFFFF086  }
0x25: {  	[simem:s6], [sflag:s4] =	dma.local [hbm:s3], $0xF7A  }
0x26: {  	[smem:$0x3F9E] =	sst s1;
	(tag) =	ssettag s2;
	_ =	strace s9  }
0x27: {  	s1 =	sld [smem:$0x3FAE]  }
0x28: {  	s2 =	sld [smem:$0x3FAF]  }
0x29: {  	s4 =	sld [smem:$0x3FB1]  }
0x2a: {  	p0 =	seq.s32 s5, $0x0;
	s5 =	sld [smem:$0x3FB2]  }
0x2b: {  	s6 =	sld [smem:$0x3FB3]  }
0x2c: {  	s7 =	sld [smem:$0x3FB4]  }
0x2d: {  	s3 =	simm.s32 $0x108;
	s8 =	sld [smem:$0x3FB5]  }
0x2e: {  	s3 =	simm.s32 @!p0 $0x1082;
	s9 =	sld [smem:$0x3FB6]  }
0x2f: {  	lr =	sadd.s32 s0, s3;
	s0 =	sld [smem:$0x3FAD]  }
0x30: {  	s3 =	sld [smem:$0x3FB0]  }
0x31: {  	[smem:$0x3FB9] =	sst s10  }
0x32: {  	s10 =	sld [smem:$0x3FB7];
	_ =	sdelay $0x3  }
0x33: {  	p0 =	seq.s32 s10, $0x1;
	s10 =	sld [smem:$0x3FB9];
	_ =	sdelay $0x3  }
0x34: {  	[smem:$0x3FB9] =	sst s10  }
0x35: {  	s10 =	sld [smem:$0x3FB8];
	_ =	sdelay $0x3  }
0x36: {  	p1 =	seq.s32 s10, $0x1;
	s10 =	sld [smem:$0x3FB9];
	_ =	sdelay $0x3  }
0x37: {  	[smem:$0x3FB9] =	sst s10  }
0x38: {  	s10 =	sld [smem:$0x3FBA]  }
0x39: {  	_ = 	snop;
	(pc) =	sbr.ind lr, $3  }
0x3a: {  	_ = 	snop  }
0x3b: {  	_ = 	snop  }
0x3c: {  	p2 =	seq.s32 s10, $0x1;
	s10 =	sld [smem:$0x3FB9]  }
0x3d: {  	_ =	shalt  }
0x3e: {  	_ =	shalt  }
0x3f: {  	_ =	shalt  }
0x40: {  	_ =	shalt  }
0x41: {  	_ =	shalt  }
0x42: {  	_ =	shalt  }
0x43: {  	_ =	shalt  }
0x44: {  	_ =	shalt  }
0x45: {  	_ =	shalt  }
0x46: {  	_ =	shalt  }
0x47: {  	_ =	shalt  }
0x48: {  	_ =	shalt  }
0x49: {  	_ =	shalt  }
0x4a: {  	_ =	shalt  }
0x4b: {  	_ =	shalt  }
0x4c: {  	_ =	shalt  }
0x4d: {  	_ =	shalt  }
0x4e: {  	_ =	shalt  }
0x4f: {  	_ =	shalt  }
0x50: {  	_ =	shalt  }
0x51: {  	_ =	shalt  }
0x52: {  	_ =	shalt  }
0x53: {  	_ =	shalt  }
0x54: {  	_ =	shalt  }
0x55: {  	_ =	shalt  }
0x56: {  	_ =	shalt  }
0x57: {  	_ =	shalt  }
0x58: {  	_ =	shalt  }
0x59: {  	_ =	shalt  }
0x5a: {  	_ =	shalt  }
0x5b: {  	_ =	shalt  }
0x5c: {  	_ =	shalt  }
0x5d: {  	_ =	shalt  }
0x5e: {  	_ =	shalt  }
0x5f: {  	_ =	shalt  }
0x60: {  	_ =	shalt  }
0x61: {  	_ =	shalt  }
0x62: {  	_ =	shalt  }
0x63: {  	_ =	shalt  }
0x64: {  	_ =	shalt  }
0x65: {  	_ =	shalt  }
0x66: {  	_ =	shalt  }
0x67: {  	_ =	shalt  }
0x68: {  	_ =	shalt  }
0x69: {  	_ =	shalt  }
0x6a: {  	_ =	shalt  }
0x6b: {  	_ =	shalt  }
0x6c: {  	_ =	shalt  }
0x6d: {  	_ =	shalt  }
0x6e: {  	_ =	shalt  }
0x6f: {  	_ =	shalt  }
0x70: {  	_ =	shalt  }
0x71: {  	_ =	shalt  }
0x72: {  	_ =	shalt  }
0x73: {  	_ =	shalt  }
0x74: {  	_ =	shalt  }
0x75: {  	_ =	shalt  }
0x76: {  	_ =	shalt  }
0x77: {  	_ =	shalt  }
0x78: {  	_ =	shalt  }
0x79: {  	_ =	shalt  }
0x7a: {  	_ =	shalt  }
0x7b: {  	_ =	shalt  }
0x7c: {  	_ =	shalt  }
0x7d: {  	_ =	shalt  }
0x7e: {  	_ =	shalt  }
0x7f: {  	_ =	shalt  }
0x80: {  	_ =	shalt  }
0x81: {  	_ =	shalt  }
0x82: {  	_ =	shalt  }
0x83: {  	_ =	shalt  }
0x84: {  	_ =	shalt  }
0x85: {  	_ =	shalt  }
0x86: {  	_ =	shalt  }
0x87: {  	_ =	shalt  }
.Lfunc_end0:
.L_simem_size_0:
called_computation_lowered:
.L_overlay_start_0:
0x88: {  	s2 =	sld [smem:$0x3FD9]  }
0x89: {  	s3 =	sld [smem:$0x3FFE];
	_ =	sdelay $0x1  }
0x8a: {  	s1 =	srdreg.scid  }
0x8b: {  	s0 =	sand.u32 $0x1, s1  }
0x8c: {  	s17 =	sshll.u32 s0, $0xA;
	s2 =	sadd.s32 s3, s2  }
0x8d: {  	s2 =	sadd.s32 s2, s17  }
0x8e: {  	[smem:$0x3FC5] =	sst s2  }
0x8f: {  	_ = 	snop  }
0x90: {  	s2 =	sld [smem:$0x3FC8];
	(tm) =	ssettm $0x1  }
0x91: {  	s18 =	sld [smem:$0x3FFB];
	_ =	sdelay $0x3  }
0x92: {  	_ =	strace s18  }
0x93: {  	s3 =	sld [smem:$0x3FFC];
	_ =	sdelay $0x3  }
0x94: {  	_ =	strace s3  }
0x95: {  	s3 =	sld [smem:$0x3FFD];
	_ =	sdelay $0x3  }
0x96: {  	_ =	strace s3  }
0x97: {  	_ =	strace $0x8FFFFFFF  }
0x98: {  	s19 =	sld [smem:$0x3FDB];
	_ =	sdelay $0x1  }
0x99: {  	s4 =	simm.s32 $_scs_section_size  }
0x9a: {  	s5 =	simm.s32 $_size__tile_overlayer_lowered;
	s6 =	simm.s32 $_tile_overlayer_lowered  }
0x9b: {  	s22 =	simm.s32 $0x1BFF;
	s21 =	sshll.u32 s6, $0x1;
	s3 =	sadd.s32 s4, s19  }
0x9c: {  	s7 =	simm.s32 $0x0;
	s20 =	sshll.u32 s5, $0x1;
	s5 =	sadd.s32 s21, s3  }
0x9d: {  	[timem:s7], [sflag:s22] =	dma.local [hbm:s5], s20  }
0x9e: {  	_ =	swait.ge [sflag:s22], s20  }
0x9f: {  	s4 =	ssub.s32 $0x0, s20;
	[sflag:s22] =	ssyncset.done $0x0  }
0xa0: {  	[sflag:s22] =	ssyncadd.s32 s4;
	_ =	sdelay $0x1  }
0xa1: {  	s23 =	simm.s32 $0x1B8B  }
0xa2: {  	_ =	swait.ge [sflag:s23], $0x1  }
0xa3: {  	[sflag:s23] =	ssyncset.done $0x0  }
0xa4: {  	s25 =	simm.s32 $0x1B8E;
	s24 =	sld [smem:$0x3FFE];
	[sflag:s23] =	ssyncadd.s32 $0xFFFFFFFF  }
0xa5: {  	s26 =	simm.s32 $execute0_lowered;
	[smem:$0x3FD2] =	sst s25  }
0xa6: {  	s5 =	sshll.u32 s26, $0x1;
	_ =	strace $0x80000046;
	[dreg:$0x1] =	wrdreg $0xFFFFFFFF  }
0xa7: {  	s28 =	simm.s32 $_size_execute0_lowered;
	s3 =	sadd.s32 s3, s5;
	[dreg:$0x0] =	wrdreg $0x0  }
0xa8: {  	s5 =	sshll.u32 s28, $0x1;
	[dreg:$0x2] =	wrdreg s3  }
0xa9: {  	[dreg:$0x3] =	wrdreg s5  }
0xaa: {  	[dreg:$0x4] =	wrdreg $0xC0  }
0xab: {  	_ =	task [dreg:s7], $0x5FFFF  }
0xac: {  	[dreg:$0x1] =	wrdreg $0xFFFFFFFF  }
0xad: {  	[dreg:$0x0] =	wrdreg $0x60  }
0xae: {  	[dreg:$0x2] =	wrdreg s24  }
0xaf: {  	[dreg:$0x3] =	wrdreg s2  }
0xb0: {  	[dreg:$0x4] =	wrdreg $0x9  }
0xb1: {  	_ =	task.clear_ibuf [dreg:s7], $0x5FFFF;
	_ =	strace $0x90000046  }
0xb2: {  	s29 =	simm.s32 $0x9;
	_ =	strace $0x80000048  }
0xb3: {  	_ =	swait.ge [sflag:s29], $0x1  }
0xb4: {  	[sflag:s29] =	ssyncadd.s32 $0xFFFFFFFF  }
0xb5: {  	_ =	strace $0x90000048  }
0xb6: {  	_ =	sfence  }
0xb7: {  	s30 =	sld [smem:$0x0];
	_ =	sdelay $0x2  }
0xb8: {  	s31 =	sshll.u32 s1, $0xD;
	s1 =	sshrl.u32 s1, $0x2  }
0xb9: {  	s3 =	sand.u32 $0x4000, s31;
	s1 =	sadd.s32 s1, s30  }
0xba: {  	s0 =	sor.u32 s3, s0;
	s1 =	sshll.u32 s1, $0x11  }
0xbb: {  	s0 =	sor.u32 s1, s0  }
0xbc: {  	s0 =	sadd.s32 $0x8F2B, s0  }
0xbd: {  	[sflag:s0] =	ssyncadd.remote.s32 $0x1  }
0xbe: {  	_ =	sfence.sel $0xFFFF  }
0xbf: {  	[dreg:$0x0] =	wrdreg $0xFFFFFFFF;
	(pc) =	sbr.abs _section_cstart, $3  }
0xc0: {  	[dreg:$0x1] =	wrdreg $0xFFFFFFFF  }
0xc1: {  	_ =	task.clear_ibuf [dreg:s7], $0x2FFFF;
	_ =	strace $0x9FFFFFFF  }
0xc2: {  	(tm) =	ssettm $0x7FFFFFFF  }
0xc3: {  	_ =	shalt  }
tec
execute0_lowered:
.L_overlay_start_1:
0x0: {  	(tag) =	ssettag $0x1  }
0x1: {  	s18 =	rddreg [dreg:$0x0]  }
0x2: {  	s2 =	rddreg [dreg:$0x1]  }
0x3: {  	s0 =	rddreg [dreg:$0x2]  }
0x4: {  	s4 =	srdreg.scid;
	s1 =	stileid.u32  }
0x5: {  	s3 =	simm.s32 $0x0;
	s16 =	sand.u32 $0x1, s4;
	s30 =	sshll.u32 s1, $0x1  }
0x6: {  	[smem:$0x7FF] =	sst s3;
	s19 =	sor.u32 s16, s30  }
0x7: {  	s5 =	simm.s32 $0x2;
	s4 =	sadd.s32 $0xA00, s18;
	_ =	strace $0x80000047;
	v0 =	vmov s19  }
0x8: {  	[tilespmem:s3], [sflag:$0x2] =	stream.linear.gather [hbm4b:s4+s3], $0x80, $0x38;
	[tilespmem:$0x4080] =	vst v63  }
0x9: {  	_ =	swait.ge [sflag:s5], $0x80  }
0xa: {  	[sflag:s5] =	ssyncset.done $0x0  }
0xb: {  	v1 =	vimm.s32 $0x76543210;
	[sflag:s5] =	ssyncadd.s32 $0xFFFFFF80  }
0xc: {  	v2 =	vimm.s32 $0x43424140;
	v3 =	vimm.s32 $0x47464544;
	v1 =	vunpack.c.l.s4.s8 v1;
	v4 =	vld.idx.msk [tilespmem:v0+s3+$0x0], $0xffff  }
0xd: {  	v2 =	vunpack.c.0.s8.s32 v2;
	v3 =	vunpack.c.0.s8.s32 v3  }
0xe: {  	vm0 =	vcmask $0x1F10;
	v1 =	vunpack.c.0.s8.s32 v1  }
0xf: {  	v2 =	vsel vm0, v3, v2  }
0x10: {  	v1 =	vcombine.low v1, v2  }
0x11: {  	v5 =	vlaneseq.u32;
	v3 =	vshll.u32 v4, $0x7  }
0x12: {  	v2 =	vand.u32 $0x7, v5;
	v4 =	vshrl.u32 v5, $0x3;
	v6 =	vor.u32 v1, v3  }
0x13: {  	v3 =	vmul.u32 $0x8, v4;
	v4 =	vperm.xlane v6, v2;
	_ =	sdelay $0x1  }
0x14: {  	v7 =	vadd.s32 v3, v4;
	_ =	sdelay $0x3  }
0x15: {  	s6 =	simm.s32 $0x80;
	vm0 =	vmmov $0xffff  }
0x16: {  	v4 =	vor.u32 $0x8, v5;
	[tilespmem:s6], [sflag:$0x1] =	stream.indirect_vreg.gather [hbm4b:s2+s3], $0x80, v7, vm0, $0xb8;
	[tilespmem:$0x4080] =	vst v63  }
0x17: {  	s8 =	simm.s32 $0x880;
	s7 =	sadd.s32 $0x100, s2;
	v5 =	vperm.xlane v6, v4  }
0x18: {  	[tilespmem:s8], [sflag:$0x1] =	stream.indirect_vreg.gather [hbm4b:s7+s3], $0x80, v7, vm0, $0xb8;
	[tilespmem:$0x4080] =	vst v63  }
0x19: {  	s10 =	simm.s32 $0x1080;
	s9 =	sadd.s32 $0x200, s2;
	v5 =	vadd.s32 v3, v5  }
0x1a: {  	[tilespmem:s10], [sflag:$0x1] =	stream.indirect_vreg.gather [hbm4b:s9+s3], $0x80, v7, vm0, $0xb8;
	[tilespmem:$0x4080] =	vst v63  }
0x1b: {  	s12 =	simm.s32 $0x1880;
	s11 =	sadd.s32 $0x300, s2  }
0x1c: {  	[tilespmem:s12], [sflag:$0x1] =	stream.indirect_vreg.gather [hbm4b:s11+s3], $0x80, v7, vm0, $0xb8;
	[tilespmem:$0x4080] =	vst v63  }
0x1d: {  	s13 =	simm.s32 $0x2080;
	s20 =	ssub.s32 $0x2, s16  }
0x1e: {  	[tilespmem:s13], [sflag:$0x1] =	stream.indirect_vreg.gather [hbm4b:s2+s3], $0x80, v5, vm0, $0xb8;
	[tilespmem:$0x4080] =	vst v63  }
0x1f: {  	s14 =	simm.s32 $0x2880;
	s15 =	simm.s32 $0x3080;
	s21 =	sshrl.u32 s20, $0x1  }
0x20: {  	[tilespmem:s14], [sflag:$0x1] =	stream.indirect_vreg.gather [hbm4b:s7+s3], $0x80, v5, vm0, $0xb8;
	[tilespmem:$0x4080] =	vst v63  }
0x21: {  	s17 =	simm.s32 $0x1;
	s19 =	sshll.u32 s19, $0xB;
	s31 =	ssub.s32 s20, s21  }
0x22: {  	[tilespmem:s15], [sflag:$0x1] =	stream.indirect_vreg.gather [hbm4b:s9+s3], $0x80, v5, vm0, $0xb8;
	[tilespmem:$0x4080] =	vst v63  }
0x23: {  	s16 =	simm.s32 $0x3880;
	s18 =	sadd.s32 s19, s18;
	s19 =	smax.u32 s31, $0x1  }
0x24: {  	[tilespmem:s16], [sflag:$0x1] =	stream.indirect_vreg.gather [hbm4b:s11+s3], $0x80, v5, vm0, $0xb8;
	[tilespmem:$0x4080] =	vst v63  }
0x25: {  	p0 =	sne.s32 s19, $0x1;
	_ =	swait.ge [sflag:s17], $0x4000  }
.Ltmp0:
0x26: {  	[sflag:s17] =	ssyncset.done $0x0;
	(pc) =	sbr.rel @!p0 .LBB2_2-.Ltmp0, $4  }
0x27: {  	s18 =	sadd.s32 $0xC00, s18;
	[sflag:s17] =	ssyncadd.s32 $0xFFFFC000  }
0x28: {  	[hbm4b:s18+s3] =	stream.linear.scatter [tilespmem:s6], [sflag:$0x2], $0x4000, $0x38;
	[tilespmem:$0x4080] =	vst v63  }
0x29: {  	_ =	swait.ge [sflag:s5], $0x4000  }
0x2a: {  	s19 =	sadd.s32 $0xFFFFFFFF, s19;
	[sflag:s5] =	ssyncset.done $0x0  }
.LBB2_1:
0x2b: {  	p0 =	sne.s32 s19, $0x1;
	s19 =	sadd.s32 $0xFFFFFFFF, s19;
	[sflag:s5] =	ssyncadd.s32 $0xFFFFC000  }
0x2c: {  	[tilespmem:s3], [sflag:$0x2] =	stream.linear.gather [hbm4b:s4+s3], $0x80, $0x38;
	[tilespmem:$0x4080] =	vst v63  }
0x2d: {  	_ =	swait.ge [sflag:s5], $0x80  }
0x2e: {  	[sflag:s5] =	ssyncset.done $0x0  }
0x2f: {  	[sflag:s5] =	ssyncadd.s32 $0xFFFFFF80  }
0x30: {  	v5 =	vld.idx.msk [tilespmem:v0+s3+$0x0], $0xffff;
	_ =	sdelay $0x5  }
0x31: {  	v5 =	vshll.u32 v5, $0x7  }
0x32: {  	v5 =	vor.u32 v1, v5  }
0x33: {  	v6 =	vperm.xlane v5, v2;
	v5 =	vperm.xlane v5, v4;
	_ =	sdelay $0x1  }
0x34: {  	v6 =	vadd.s32 v3, v6;
	_ =	sdelay $0x4  }
0x35: {  	[tilespmem:s6], [sflag:$0x1] =	stream.indirect_vreg.gather [hbm4b:s2+s3], $0x80, v6, vm0, $0xb8;
	[tilespmem:$0x4080] =	vst v63  }
0x36: {  	_ = 	snop  }
0x37: {  	[tilespmem:s8], [sflag:$0x1] =	stream.indirect_vreg.gather [hbm4b:s7+s3], $0x80, v6, vm0, $0xb8;
	[tilespmem:$0x4080] =	vst v63  }
0x38: {  	v5 =	vadd.s32 v3, v5  }
0x39: {  	[tilespmem:s10], [sflag:$0x1] =	stream.indirect_vreg.gather [hbm4b:s9+s3], $0x80, v6, vm0, $0xb8;
	[tilespmem:$0x4080] =	vst v63  }
0x3a: {  	_ = 	snop  }
0x3b: {  	[tilespmem:s12], [sflag:$0x1] =	stream.indirect_vreg.gather [hbm4b:s11+s3], $0x80, v6, vm0, $0xb8;
	[tilespmem:$0x4080] =	vst v63  }
0x3c: {  	_ = 	snop  }
0x3d: {  	[tilespmem:s13], [sflag:$0x1] =	stream.indirect_vreg.gather [hbm4b:s2+s3], $0x80, v5, vm0, $0xb8;
	[tilespmem:$0x4080] =	vst v63  }
0x3e: {  	_ = 	snop  }
0x3f: {  	[tilespmem:s14], [sflag:$0x1] =	stream.indirect_vreg.gather [hbm4b:s7+s3], $0x80, v5, vm0, $0xb8;
	[tilespmem:$0x4080] =	vst v63  }
0x40: {  	_ = 	snop  }
0x41: {  	[tilespmem:s15], [sflag:$0x1] =	stream.indirect_vreg.gather [hbm4b:s9+s3], $0x80, v5, vm0, $0xb8;
	[tilespmem:$0x4080] =	vst v63  }
0x42: {  	_ = 	snop  }
0x43: {  	[tilespmem:s16], [sflag:$0x1] =	stream.indirect_vreg.gather [hbm4b:s11+s3], $0x80, v5, vm0, $0xb8;
	[tilespmem:$0x4080] =	vst v63  }
0x44: {  	_ =	swait.ge [sflag:s17], $0x4000  }
.Ltmp1:
0x45: {  	[sflag:s17] =	ssyncset.done $0x0;
	(pc) =	sbr.rel @p0 .LBB2_1-.Ltmp1, $4  }
0x46: {  	[sflag:s17] =	ssyncadd.s32 $0xFFFFC000  }
0x47: {  	[hbm4b:s18+s3] =	stream.linear.scatter [tilespmem:s6], [sflag:$0x2], $0x4000, $0x38;
	[tilespmem:$0x4080] =	vst v63  }
0x48: {  	_ =	swait.ge [sflag:s5], $0x4000  }
0x49: {  	[sflag:s5] =	ssyncset.done $0x0  }
.LBB2_2:
0x4a: {  	[sflag:s5] =	ssyncadd.s32 $0xFFFFC000  }
0x4b: {  	_ =	sfence.sel $0x180000  }
0x4c: {  	[bflag:$0x0] =	sbarrier.arrive $0xFFFF  }
0x4d: {  	p0 =	sne.s32 s1, $0x0;
	_ =	strace $0x90000047  }
0x4e: {  	s0 =	sadd.s32 @!p0 $0x100000, s0;
	[bflag:$0x2] =	sbarrier.arrive $0xFFFF  }
0x4f: {  	[sflag:s0] =	ssyncadd.tile.s32 @!p0 $0x1;
	_ =	shalt  }
.Lfunc_end2:
_tile_overlayer_lowered:
.L_overlay_start_2:
0x50: {  	(tag) =	ssettag $0x2  }
0x51: {  	s0 =	rddreg [dreg:$0x0];
	s2 =	stileid.u32  }
0x52: {  	s1 =	rddreg [dreg:$0x1];
	p0 =	sne.s32 s2, $0x0  }
0x53: {  	s3 =	rddreg [dreg:$0x2];
	[bflag:$0x3] =	sbarrier.arrive $0xFFFF;
	s2 =	simm.s32 @!p0 $0x1C02  }
0x54: {  	[timem:s3], [sflag:s2] =	dma.local @!p0 [hbm:s0], s1  }
0x55: {  	s0 =	simm.s32 @!p0 $0x2  }
0x56: {  	_ =	swait.ge @!p0 [sflag:s0], s1  }
0x57: {  	s1 =	ssub.s32 @!p0 $0x0, s1;
	[sflag:s0] =	ssyncset.done @!p0 $0x0  }
0x58: {  	[sflag:s0] =	ssyncadd.s32 @!p0 s1  }
0x59: {  	[bflag:$0x3] =	sbarrier.arrive $0xFFFF  }
0x5a: {  	_ =	shalt  }

</sc_bundles>
